<compile_context>
chip_gen: v7x
topology: tpu7x:2x2x1
jax: 0.10.2.dev20260603
libtpu: 0.0.44.dev20260713+nightly
codegen_flags: <defaults>
</compile_context>

<pallas_src>
import jax
import jax.numpy as jnp
from jax import lax
from jax.experimental import pallas as pl
from jax.experimental.pallas import tpu as pltpu
from jax.experimental.pallas import tpu_sc as plsc

N = 10000
E = 320000
D = 128
C = 10
G = 64

NC = 2
NS = 16
NW = NC * NS
N_PAD = 10240
ROWS_PER_TILE = N_PAD // NS
K = 128
CHP = 80
EPT = CHP * K
NBUF = 4

def _mesh():
    return plsc.VectorSubcoreMesh(core_axis_name="c", subcore_axis_name="s")


def _sc_deg_body(dst_hbm, out_hbm, didx, ones_v, zbuf, acc, s0, s1, s2, s3):
    c = lax.axis_index("c")
    s = lax.axis_index("s")
    wid = c * NS + s
    ssem = (s0, s1, s2, s3)

    @pl.loop(0, K, step=16)
    def _(i):
        ones_v[pl.ds(i, 16)] = jnp.ones((16,), jnp.float32)

    @pl.loop(0, ROWS_PER_TILE, step=16)
    def _(i):
        zbuf[pl.ds(i, 16)] = jnp.zeros((16,), jnp.float32)

    pltpu.sync_copy(zbuf, acc.at[pl.ds(s * ROWS_PER_TILE, ROWS_PER_TILE)])
    pltpu.sync_copy(dst_hbm.at[wid], didx)
    plsc.subcore_barrier()

    for b in range(NBUF):
        pltpu.async_copy(ones_v, acc.at[didx.at[b]], ssem[b], add=True)

    @pl.loop(0, CHP - NBUF, step=NBUF)
    def _(i):
        for b in range(NBUF):
            pltpu.make_async_copy(ones_v, acc.at[didx.at[0]], ssem[b]).wait()
            pltpu.async_copy(ones_v, acc.at[didx.at[i + NBUF + b]], ssem[b],
                             add=True)

    for b in range(NBUF):
        pltpu.make_async_copy(ones_v, acc.at[didx.at[0]], ssem[b]).wait()

    plsc.subcore_barrier()
    sl = pl.ds(s * ROWS_PER_TILE, ROWS_PER_TILE)
    pltpu.sync_copy(acc.at[sl], out_hbm.at[c, sl])


@jax.jit
def _sc_deg(dst_r):
    return pl.kernel(
        _sc_deg_body,
        out_type=jax.ShapeDtypeStruct((NC, N_PAD), jnp.float32),
        mesh=_mesh(),
        scratch_types=[
            pltpu.VMEM((CHP, K), jnp.int32),
            pltpu.VMEM((K,), jnp.float32),
            pltpu.VMEM((ROWS_PER_TILE,), jnp.float32),
            pltpu.VMEM_SHARED((N_PAD,), jnp.float32),
            pltpu.SemaphoreType.DMA,
            pltpu.SemaphoreType.DMA,
            pltpu.SemaphoreType.DMA,
            pltpu.SemaphoreType.DMA,
        ],
    )(dst_r)


EK = 80
ECH = E // NW // EK


def _sc_edge_body(y_hbm, sd_hbm, out_hbm, sd, sd2,
                  rows, rows2, acc, gsem, gsem2):
    c = lax.axis_index("c")
    s = lax.axis_index("s")
    wid = c * NS + s

    @pl.loop(0, EK)
    def _(r):
        @pl.loop(0, D, step=16)
        def _(j):
            rows[r, pl.ds(j, 16)] = jnp.zeros((16,), jnp.float32)

    @pl.loop(0, ROWS_PER_TILE, step=EK)
    def _(q):
        pltpu.sync_copy(rows, acc.at[pl.ds(s * ROWS_PER_TILE + q, EK)])

    plsc.subcore_barrier()

    pltpu.sync_copy(sd_hbm.at[wid, 0], sd)
    pltpu.async_copy(y_hbm.at[sd.at[0]], rows, gsem)

    @pl.loop(0, ECH - 1, step=2)
    def _(i):
        pltpu.sync_copy(sd_hbm.at[wid, i + 1], sd2)
        pltpu.async_copy(y_hbm.at[sd2.at[0]], rows2, gsem2)
        pltpu.make_async_copy(y_hbm.at[sd.at[0]], rows, gsem).wait()
        pltpu.sync_copy(rows, acc.at[sd.at[1]], add=True)
        pltpu.sync_copy(sd_hbm.at[wid, i + 2], sd)
        pltpu.async_copy(y_hbm.at[sd.at[0]], rows, gsem)
        pltpu.make_async_copy(y_hbm.at[sd2.at[0]], rows2, gsem2).wait()
        pltpu.sync_copy(rows2, acc.at[sd2.at[1]], add=True)

    pltpu.make_async_copy(y_hbm.at[sd.at[0]], rows, gsem).wait()
    pltpu.sync_copy(rows, acc.at[sd.at[1]], add=True)

    plsc.subcore_barrier()
    sl = pl.ds(s * ROWS_PER_TILE, ROWS_PER_TILE)
    pltpu.sync_copy(acc.at[sl], out_hbm.at[c, sl])


@jax.jit
def _sc_edge(y, sd_e):
    return pl.kernel(
        _sc_edge_body,
        out_type=jax.ShapeDtypeStruct((NC, N_PAD, D), jnp.float32),
        mesh=_mesh(),
        scratch_types=[
            pltpu.VMEM((2, EK), jnp.int32),
            pltpu.VMEM((2, EK), jnp.int32),
            pltpu.VMEM((EK, D), jnp.float32),
            pltpu.VMEM((EK, D), jnp.float32),
            pltpu.VMEM_SHARED((N_PAD, D), jnp.float32),
            pltpu.SemaphoreType.DMA,
            pltpu.SemaphoreType.DMA,
        ],
    )(y, sd_e)


_BR = 1024


def _tc_pre_body(deg0_ref, deg1_ref, x_ref, w_ref, dinv_ref, y_ref):
    deg = deg0_ref[...] + deg1_ref[...] + 1.0
    dinv = lax.rsqrt(deg)
    dinv_ref[...] = dinv
    y_ref[...] = jnp.dot(x_ref[...], w_ref[...],
                         preferred_element_type=jnp.float32) * dinv


@jax.jit
def _tc_pre(deg0, deg1, x, w):
    grid = (N_PAD // _BR,)
    return pl.pallas_call(
        _tc_pre_body,
        grid=grid,
        in_specs=[
            pl.BlockSpec((_BR, 1), lambda i: (i, 0)),
            pl.BlockSpec((_BR, 1), lambda i: (i, 0)),
            pl.BlockSpec((_BR, D), lambda i: (i, 0)),
            pl.BlockSpec((D, D), lambda i: (0, 0)),
        ],
        out_specs=[
            pl.BlockSpec((_BR, 1), lambda i: (i, 0)),
            pl.BlockSpec((_BR, D), lambda i: (i, 0)),
        ],
        out_shape=[
            jax.ShapeDtypeStruct((N_PAD, 1), jnp.float32),
            jax.ShapeDtypeStruct((N_PAD, D), jnp.float32),
        ],
    )(deg0, deg1, x, w)


def _tc_mid_body(a0_ref, a1_ref, y_ref, dinv_ref, b_ref, w_ref, o_ref):
    dinv = dinv_ref[...]
    h = dinv * (a0_ref[...] + a1_ref[...] + y_ref[...]) + b_ref[...]
    h = jnp.maximum(h, 0.0)
    o_ref[...] = jnp.dot(h, w_ref[...],
                         preferred_element_type=jnp.float32) * dinv


@jax.jit
def _tc_mid(a0, a1, y, dinv, b, w):
    grid = (N_PAD // _BR,)
    return pl.pallas_call(
        _tc_mid_body,
        grid=grid,
        in_specs=[
            pl.BlockSpec((_BR, D), lambda i: (i, 0)),
            pl.BlockSpec((_BR, D), lambda i: (i, 0)),
            pl.BlockSpec((_BR, D), lambda i: (i, 0)),
            pl.BlockSpec((_BR, 1), lambda i: (i, 0)),
            pl.BlockSpec((1, D), lambda i: (0, 0)),
            pl.BlockSpec((D, D), lambda i: (0, 0)),
        ],
        out_specs=pl.BlockSpec((_BR, D), lambda i: (i, 0)),
        out_shape=jax.ShapeDtypeStruct((N_PAD, D), jnp.float32),
    )(a0, a1, y, dinv, b, w)


_BRP = 512


def _tc_post_body(a0_ref, a1_ref, y_ref, dinv_ref, b_ref, batch_ref,
                  linw_ref, linb_ref, o_ref, pool_ref, cnt_ref):
    i = pl.program_id(0)

    @pl.when(i == 0)
    def _():
        pool_ref[...] = jnp.zeros_like(pool_ref)
        cnt_ref[...] = jnp.zeros_like(cnt_ref)

    h = dinv_ref[...] * (a0_ref[...] + a1_ref[...] + y_ref[...]) + b_ref[...]
    gids = lax.broadcasted_iota(jnp.int32, (G, _BRP), 0)
    onehot = (batch_ref[...] == gids).astype(jnp.float32)
    pool_ref[...] += lax.dot_general(
        onehot, h, (((1,), (0,)), ((), ())),
        preferred_element_type=jnp.float32)
    cnt_ref[...] += lax.dot_general(
        onehot, jnp.ones((_BRP, 1), jnp.float32), (((1,), (0,)), ((), ())),
        preferred_element_type=jnp.float32)

    @pl.when(i == (N_PAD // _BRP) - 1)
    def _():
        pooled = pool_ref[...] / jnp.maximum(cnt_ref[...], 1.0)
        o_ref[...] = jnp.dot(pooled, linw_ref[...],
                             preferred_element_type=jnp.float32) + linb_ref[...]


@jax.jit
def _tc_post(a0, a1, y, dinv, b, batch2d, lin_W, lin_b):
    grid = (N_PAD // _BRP,)
    return pl.pallas_call(
        _tc_post_body,
        grid=grid,
        in_specs=[
            pl.BlockSpec((_BRP, D), lambda i: (i, 0)),
            pl.BlockSpec((_BRP, D), lambda i: (i, 0)),
            pl.BlockSpec((_BRP, D), lambda i: (i, 0)),
            pl.BlockSpec((_BRP, 1), lambda i: (i, 0)),
            pl.BlockSpec((1, D), lambda i: (0, 0)),
            pl.BlockSpec((1, _BRP), lambda i: (0, i)),
            pl.BlockSpec((D, C), lambda i: (0, 0)),
            pl.BlockSpec((1, C), lambda i: (0, 0)),
        ],
        out_specs=pl.BlockSpec((G, C), lambda i: (0, 0)),
        out_shape=jax.ShapeDtypeStruct((G, C), jnp.float32),
        scratch_shapes=[
            pltpu.VMEM((G, D), jnp.float32),
            pltpu.VMEM((G, 1), jnp.float32),
        ],
    )(a0, a1, y, dinv, b, batch2d, lin_W, lin_b)


def kernel(x, edge_index, batch, W1, b1, W2, b2, W3, b3, lin_W, lin_b):
    pad_dst = jnp.broadcast_to(
        N + jnp.arange(EPT - E // NW, dtype=jnp.int32)[None, :],
        (NW, EPT - E // NW))
    dst_r = jnp.concatenate(
        [edge_index[1].astype(jnp.int32).reshape(NW, E // NW), pad_dst],
        axis=1).reshape(NW, CHP, K)
    sd_e = jnp.stack([edge_index[0].astype(jnp.int32).reshape(NW, ECH, EK),
                      edge_index[1].astype(jnp.int32).reshape(NW, ECH, EK)],
                     axis=2)
    x_pad = jnp.pad(x, ((0, N_PAD - N), (0, 0)))
    batch2d = jnp.pad(batch.astype(jnp.int32), (0, N_PAD - N),
                      constant_values=G).reshape(1, N_PAD)

    degp = _sc_deg(dst_r)
    deg0 = degp[0].reshape(N_PAD, 1)
    deg1 = degp[1].reshape(N_PAD, 1)
    dinv, y = _tc_pre(deg0, deg1, x_pad, W1)

    accp = _sc_edge(y, sd_e)
    y = _tc_mid(accp[0], accp[1], y, dinv, b1.reshape(1, D), W2)
    accp = _sc_edge(y, sd_e)
    y = _tc_mid(accp[0], accp[1], y, dinv, b2.reshape(1, D), W3)
    accp = _sc_edge(y, sd_e)
    return _tc_post(accp[0], accp[1], y, dinv, b3.reshape(1, D), batch2d,
                    lin_W, lin_b.reshape(1, C))

# --- scband reference (transcript-rebuilt; emitter-appended) ---
"""Pipeline reference for scband-saved-gcn-42425686950472 (READ-ONLY COPY).

The authoritative reference and input builder live on the scoring server;
editing this copy changes nothing except your own understanding.
"""

import jax, jax.numpy as jnp
import numpy as np

N = 10000
E = 320000
D = 128
C = 10
G = 64


def setup_inputs(seed: int = 0) -> dict:
    key = jax.random.key(seed)
    ks = jax.random.split(key, 12)
    x = jax.random.normal(ks[0], (N, D), dtype=jnp.float32)
    edge_index = jax.random.randint(ks[1], (2, E), 0, N)
    batch = jnp.sort(jax.random.randint(ks[2], (N,), 0, G))
    s = 1.0 / np.sqrt(D)
    W1 = jax.random.normal(ks[3], (D, D), dtype=jnp.float32) * s
    b1 = jnp.zeros((D,), dtype=jnp.float32)
    W2 = jax.random.normal(ks[4], (D, D), dtype=jnp.float32) * s
    b2 = jnp.zeros((D,), dtype=jnp.float32)
    W3 = jax.random.normal(ks[5], (D, D), dtype=jnp.float32) * s
    b3 = jnp.zeros((D,), dtype=jnp.float32)
    lin_W = jax.random.normal(ks[6], (D, C), dtype=jnp.float32) * s
    lin_b = jnp.zeros((C,), dtype=jnp.float32)
    return {"x": x, "edge_index": edge_index, "batch": batch,
            "W1": W1, "b1": b1, "W2": W2, "b2": b2, "W3": W3, "b3": b3,
            "lin_W": lin_W, "lin_b": lin_b}


def _gcn_conv(x, edge_index, W, b):
    # GCNConv: D^{-1/2} (A + I) D^{-1/2} X W + b
    src = edge_index[0]
    dst = edge_index[1]
    loop = jnp.arange(N, dtype=src.dtype)
    s = jnp.concatenate([src, loop])
    d = jnp.concatenate([dst, loop])
    deg = jnp.zeros((N,), x.dtype).at[d].add(1.0)
    dinv = jnp.where(deg > 0, 1.0 / jnp.sqrt(deg), 0.0)
    norm = dinv[s] * dinv[d]
    xw = x @ W
    msg = xw[s] * norm[:, None]
    out = jnp.zeros((N, W.shape[1]), x.dtype).at[d].add(msg)
    return out + b


def reference(x, edge_index, batch, W1, b1, W2, b2, W3, b3, lin_W, lin_b):
    h = jax.nn.relu(_gcn_conv(x, edge_index, W1, b1))
    h = jax.nn.relu(_gcn_conv(h, edge_index, W2, b2))
    h = _gcn_conv(h, edge_index, W3, b3)
    # global_mean_pool over batch segment ids
    cnt = jax.ops.segment_sum(jnp.ones((N,), h.dtype), batch, num_segments=G)
    summ = jax.ops.segment_sum(h, batch, num_segments=G)
    pooled = summ / jnp.maximum(cnt, 1.0)[:, None]
    # dropout p=0.1 is identity in eval mode
    return pooled @ lin_W + lin_b

if __name__ == "__main__":
    import jax
    _d = setup_inputs()
    print(jax.jit(kernel)(*tuple(_d.values())))

</pallas_src>

<mosaic_0001>
#map = affine_map<(d0, d1) -> (0, 0, 0)>
#map1 = affine_map<(d0, d1) -> (0, 0)>
module attributes {stable_mosaic.version = 14 : i64} {
  func.func @_sc_deg_body(%arg0: i32, %arg1: i32, %arg2: memref<32x80x128xi32, #tpu.memory_space<hbm>>, %arg3: memref<2x10240xf32, #tpu.memory_space<hbm>>, %arg4: memref<80x128xi32, #tpu.memory_space<vmem>>, %arg5: memref<128xf32, #tpu.memory_space<vmem>>, %arg6: memref<640xf32, #tpu.memory_space<vmem>>, %arg7: memref<10240xf32, #tpu.memory_space<vmem_shared>>, %arg8: memref<!tpu.dma_semaphore, #tpu.memory_space<semaphore_mem>>, %arg9: memref<!tpu.dma_semaphore, #tpu.memory_space<semaphore_mem>>, %arg10: memref<!tpu.dma_semaphore, #tpu.memory_space<semaphore_mem>>, %arg11: memref<!tpu.dma_semaphore, #tpu.memory_space<semaphore_mem>>) attributes {dimension_semantics = [#tpu.dimension_semantics<core_parallel>, #tpu.dimension_semantics<subcore_parallel>], iteration_bounds = array<i64: 2, 16>, scalar_prefetch = 0 : i64, scratch_operands = 8 : i64, tpu.core_type = #tpu.core_type<sc_vector_subcore>, window_params = [{transform_indices = #map}, {transform_indices = #map1}]} {
    %mul3A = arith.constant 16 : i32
    %mul3A_0 = arith.muli %arg0, %mul3A : i32
    %add3A = arith.addi %mul3A_0, %arg1 : i32
    %scan3A = arith.constant 0 : i32
    %scan3A_1 = arith.constant 8 : i32
    %scan3A_2 = arith.addi %scan3A, %scan3A_1 : i32
    %scan3A_3 = arith.constant 1 : i32
    scf.for %scan3A_66 = %scan3A to %scan3A_2 step %scan3A_3  : i32 {
      %mul3A_67 = arith.constant 16 : i32
      %mul3A_68 = arith.muli %scan3A_66, %mul3A_67 : i32
      %add3A_69 = arith.constant 0 : i32
      %add3A_70 = arith.addi %add3A_69, %mul3A_68 : i32
      %broadcast_in_dim3A = arith.constant 1.000000e+00 : f32
      %broadcast_in_dim3A_71 = vector.broadcast %broadcast_in_dim3A : f32 to vector<16xf32>
      %swap3A = arith.index_cast %add3A_70 : i32 to index
      %swap3A_72 = tpu.vector_load %arg5[%swap3A] {strides = array<i32>} : memref<128xf32, #tpu.memory_space<vmem>>, vector<16xf32>,
      %swap3A_73 = vector.shape_cast %swap3A_72 : vector<16xf32> to vector<16xf32>
      %swap3A_74 = vector.shape_cast %broadcast_in_dim3A_71 : vector<16xf32> to vector<16xf32>
      tpu.vector_store %arg5[%swap3A], %swap3A_74 {strides = array<i32>} : memref<128xf32, #tpu.memory_space<vmem>>, vector<16xf32>,
    }
    %scan3A_4 = arith.constant 8 : i32
    %scan3A_5 = arith.constant 0 : i32
    %scan3A_6 = arith.constant 40 : i32
    %scan3A_7 = arith.addi %scan3A_5, %scan3A_6 : i32
    %scan3A_8 = arith.constant 1 : i32
    scf.for %scan3A_66 = %scan3A_5 to %scan3A_7 step %scan3A_8  : i32 {
      %mul3A_67 = arith.constant 16 : i32
      %mul3A_68 = arith.muli %scan3A_66, %mul3A_67 : i32
      %add3A_69 = arith.constant 0 : i32
      %add3A_70 = arith.addi %add3A_69, %mul3A_68 : i32
      %broadcast_in_dim3A = arith.constant 0.000000e+00 : f32
      %broadcast_in_dim3A_71 = vector.broadcast %broadcast_in_dim3A : f32 to vector<16xf32>
      %swap3A = arith.index_cast %add3A_70 : i32 to index
      %swap3A_72 = tpu.vector_load %arg6[%swap3A] {strides = array<i32>} : memref<640xf32, #tpu.memory_space<vmem>>, vector<16xf32>,
      %swap3A_73 = vector.shape_cast %swap3A_72 : vector<16xf32> to vector<16xf32>
      %swap3A_74 = vector.shape_cast %broadcast_in_dim3A_71 : vector<16xf32> to vector<16xf32>
      tpu.vector_store %arg6[%swap3A], %swap3A_74 {strides = array<i32>} : memref<640xf32, #tpu.memory_space<vmem>>, vector<16xf32>,
    }
    %scan3A_9 = arith.constant 40 : i32
    %mul3A_10 = arith.constant 640 : i32
    %mul3A_11 = arith.muli %arg1, %mul3A_10 : i32
    "tpu.region"() ({
      %run_scoped3A = tpu.sem_alloc : memref<!tpu.dma_semaphore, #tpu.memory_space<semaphore_mem>>
      %dma_start3A_66 = tpu.memref_slice %arg7[%mul3A_11] : memref<10240xf32, #tpu.memory_space<vmem_shared>> -> memref<640xf32, #tpu.memory_space<vmem_shared>>
      %dma_start3A_67 = tpu.memref_slice %arg7[%mul3A_11] : memref<10240xf32, #tpu.memory_space<vmem_shared>> -> memref<640xf32, #tpu.memory_space<vmem_shared>>
      tpu.enqueue_dma source(%arg6 : memref<640xf32, #tpu.memory_space<vmem>>) target(%dma_start3A_67 : memref<640xf32, #tpu.memory_space<vmem_shared>>) target_semaphore(%run_scoped3A : memref<!tpu.dma_semaphore, #tpu.memory_space<semaphore_mem>>)
      %dma_wait3A_68 = tpu.memref_slice %arg7[%mul3A_11] : memref<10240xf32, #tpu.memory_space<vmem_shared>> -> memref<640xf32, #tpu.memory_space<vmem_shared>>
      %dma_wait3A_69 = tpu.memref_slice %arg7[%mul3A_11] : memref<10240xf32, #tpu.memory_space<vmem_shared>> -> memref<640xf32, #tpu.memory_space<vmem_shared>>
      tpu.wait_dma2 semaphore(%run_scoped3A : memref<!tpu.dma_semaphore, #tpu.memory_space<semaphore_mem>>) src(%arg6 : memref<640xf32, #tpu.memory_space<vmem>>) dst(%dma_wait3A_69 : memref<640xf32, #tpu.memory_space<vmem_shared>>)
      tpu.yield
    }) : () -> ()
    "tpu.region"() ({
      %run_scoped3A = tpu.sem_alloc : memref<!tpu.dma_semaphore, #tpu.memory_space<semaphore_mem>>
      %dma_start3A_66 = arith.constant 0 : i32
      %dma_start3A_67 = arith.constant 0 : i32
      %dma_start3A_68 = tpu.memref_slice %arg2[%add3A, %dma_start3A_66, %dma_start3A_67] : memref<32x80x128xi32, #tpu.memory_space<hbm>> -> memref<1x80x128xi32, #tpu.memory_space<hbm>>
      %dma_start3A_69 = tpu.memref_squeeze %dma_start3A_68 : memref<1x80x128xi32, #tpu.memory_space<hbm>> -> memref<80x128xi32, #tpu.memory_space<hbm>>
      %dma_start3A_70 = arith.constant 0 : i32
      %dma_start3A_71 = arith.constant 0 : i32
      %dma_start3A_72 = tpu.memref_slice %arg2[%add3A, %dma_start3A_70, %dma_start3A_71] : memref<32x80x128xi32, #tpu.memory_space<hbm>> -> memref<1x80x128xi32, #tpu.memory_space<hbm>>
      %dma_start3A_73 = tpu.memref_squeeze %dma_start3A_72 : memref<1x80x128xi32, #tpu.memory_space<hbm>> -> memref<80x128xi32, #tpu.memory_space<hbm>>
      tpu.enqueue_dma source(%dma_start3A_73 : memref<80x128xi32, #tpu.memory_space<hbm>>) target(%arg4 : memref<80x128xi32, #tpu.memory_space<vmem>>) target_semaphore(%run_scoped3A : memref<!tpu.dma_semaphore, #tpu.memory_space<semaphore_mem>>)
      %dma_wait3A_74 = arith.constant 0 : i32
      %dma_wait3A_75 = arith.constant 0 : i32
      %dma_wait3A_76 = tpu.memref_slice %arg2[%add3A, %dma_wait3A_74, %dma_wait3A_75] : memref<32x80x128xi32, #tpu.memory_space<hbm>> -> memref<1x80x128xi32, #tpu.memory_space<hbm>>
      %dma_wait3A_77 = tpu.memref_squeeze %dma_wait3A_76 : memref<1x80x128xi32, #tpu.memory_space<hbm>> -> memref<80x128xi32, #tpu.memory_space<hbm>>
      %dma_wait3A_78 = arith.constant 0 : i32
      %dma_wait3A_79 = arith.constant 0 : i32
      %dma_wait3A_80 = tpu.memref_slice %arg2[%add3A, %dma_wait3A_78, %dma_wait3A_79] : memref<32x80x128xi32, #tpu.memory_space<hbm>> -> memref<1x80x128xi32, #tpu.memory_space<hbm>>
      %dma_wait3A_81 = tpu.memref_squeeze %dma_wait3A_80 : memref<1x80x128xi32, #tpu.memory_space<hbm>> -> memref<80x128xi32, #tpu.memory_space<hbm>>
      tpu.wait_dma2 semaphore(%run_scoped3A : memref<!tpu.dma_semaphore, #tpu.memory_space<semaphore_mem>>) src(%dma_wait3A_81 : memref<80x128xi32, #tpu.memory_space<hbm>>) dst(%arg4 : memref<80x128xi32, #tpu.memory_space<vmem>>)
      tpu.yield
    }) : () -> ()
    %barrier3A = arith.constant 0 : index
    tpu.barrier barrier_id(%barrier3A)
    %dma_start3A = arith.constant 0 : i32
    %dma_start3A_12 = arith.constant 0 : i32
    %dma_start3A_13 = tpu.memref_slice %arg4[%dma_start3A, %dma_start3A_12] : memref<80x128xi32, #tpu.memory_space<vmem>> -> memref<1x128xi32, #tpu.memory_space<vmem>>
    %dma_start3A_14 = tpu.memref_squeeze %dma_start3A_13 : memref<1x128xi32, #tpu.memory_space<vmem>> -> memref<128xi32, #tpu.memory_space<vmem>>
    %dma_start3A_15 = arith.constant 0 : i32
    %dma_start3A_16 = tpu.memref_slice %arg7[%dma_start3A_15] : memref<10240xf32, #tpu.memory_space<vmem_shared>> -> memref<10240xf32, #tpu.memory_space<vmem_shared>>
    tpu.enqueue_indirect_dma source(%arg5 : memref<128xf32, #tpu.memory_space<vmem>>) target(%dma_start3A_16 : memref<10240xf32, #tpu.memory_space<vmem_shared>>) offsets(%dma_start3A_14 : memref<128xi32, #tpu.memory_space<vmem>>) semaphore(%arg8 : memref<!tpu.dma_semaphore, #tpu.memory_space<semaphore_mem>>) {add = true}
    %dma_start3A_17 = arith.constant 1 : i32
    %dma_start3A_18 = arith.constant 0 : i32
    %dma_start3A_19 = tpu.memref_slice %arg4[%dma_start3A_17, %dma_start3A_18] : memref<80x128xi32, #tpu.memory_space<vmem>> -> memref<1x128xi32, #tpu.memory_space<vmem>>
    %dma_start3A_20 = tpu.memref_squeeze %dma_start3A_19 : memref<1x128xi32, #tpu.memory_space<vmem>> -> memref<128xi32, #tpu.memory_space<vmem>>
    %dma_start3A_21 = arith.constant 0 : i32
    %dma_start3A_22 = tpu.memref_slice %arg7[%dma_start3A_21] : memref<10240xf32, #tpu.memory_space<vmem_shared>> -> memref<10240xf32, #tpu.memory_space<vmem_shared>>
    tpu.enqueue_indirect_dma source(%arg5 : memref<128xf32, #tpu.memory_space<vmem>>) target(%dma_start3A_22 : memref<10240xf32, #tpu.memory_space<vmem_shared>>) offsets(%dma_start3A_20 : memref<128xi32, #tpu.memory_space<vmem>>) semaphore(%arg9 : memref<!tpu.dma_semaphore, #tpu.memory_space<semaphore_mem>>) {add = true}
    %dma_start3A_23 = arith.constant 2 : i32
    %dma_start3A_24 = arith.constant 0 : i32
    %dma_start3A_25 = tpu.memref_slice %arg4[%dma_start3A_23, %dma_start3A_24] : memref<80x128xi32, #tpu.memory_space<vmem>> -> memref<1x128xi32, #tpu.memory_space<vmem>>
    %dma_start3A_26 = tpu.memref_squeeze %dma_start3A_25 : memref<1x128xi32, #tpu.memory_space<vmem>> -> memref<128xi32, #tpu.memory_space<vmem>>
    %dma_start3A_27 = arith.constant 0 : i32
    %dma_start3A_28 = tpu.memref_slice %arg7[%dma_start3A_27] : memref<10240xf32, #tpu.memory_space<vmem_shared>> -> memref<10240xf32, #tpu.memory_space<vmem_shared>>
    tpu.enqueue_indirect_dma source(%arg5 : memref<128xf32, #tpu.memory_space<vmem>>) target(%dma_start3A_28 : memref<10240xf32, #tpu.memory_space<vmem_shared>>) offsets(%dma_start3A_26 : memref<128xi32, #tpu.memory_space<vmem>>) semaphore(%arg10 : memref<!tpu.dma_semaphore, #tpu.memory_space<semaphore_mem>>) {add = true}
    %dma_start3A_29 = arith.constant 3 : i32
    %dma_start3A_30 = arith.constant 0 : i32
    %dma_start3A_31 = tpu.memref_slice %arg4[%dma_start3A_29, %dma_start3A_30] : memref<80x128xi32, #tpu.memory_space<vmem>> -> memref<1x128xi32, #tpu.memory_space<vmem>>
    %dma_start3A_32 = tpu.memref_squeeze %dma_start3A_31 : memref<1x128xi32, #tpu.memory_space<vmem>> -> memref<128xi32, #tpu.memory_space<vmem>>
    %dma_start3A_33 = arith.constant 0 : i32
    %dma_start3A_34 = tpu.memref_slice %arg7[%dma_start3A_33] : memref<10240xf32, #tpu.memory_space<vmem_shared>> -> memref<10240xf32, #tpu.memory_space<vmem_shared>>
    tpu.enqueue_indirect_dma source(%arg5 : memref<128xf32, #tpu.memory_space<vmem>>) target(%dma_start3A_34 : memref<10240xf32, #tpu.memory_space<vmem_shared>>) offsets(%dma_start3A_32 : memref<128xi32, #tpu.memory_space<vmem>>) semaphore(%arg11 : memref<!tpu.dma_semaphore, #tpu.memory_space<semaphore_mem>>) {add = true}
    %scan3A_35 = arith.constant 0 : i32
    %scan3A_36 = arith.constant 19 : i32
    %scan3A_37 = arith.addi %scan3A_35, %scan3A_36 : i32
    %scan3A_38 = arith.constant 1 : i32
    scf.for %scan3A_66 = %scan3A_35 to %scan3A_37 step %scan3A_38  : i32 {
      %mul3A_67 = arith.constant 4 : i32
      %mul3A_68 = arith.muli %scan3A_66, %mul3A_67 : i32
      %add3A_69 = arith.constant 0 : i32
      %add3A_70 = arith.addi %add3A_69, %mul3A_68 : i32
      %dma_wait3A_71 = arith.constant 0 : i32
      %dma_wait3A_72 = arith.constant 0 : i32
      %dma_wait3A_73 = tpu.memref_slice %arg4[%dma_wait3A_71, %dma_wait3A_72] : memref<80x128xi32, #tpu.memory_space<vmem>> -> memref<1x128xi32, #tpu.memory_space<vmem>>
      %dma_wait3A_74 = tpu.memref_squeeze %dma_wait3A_73 : memref<1x128xi32, #tpu.memory_space<vmem>> -> memref<128xi32, #tpu.memory_space<vmem>>
      %dma_wait3A_75 = arith.constant 0 : i32
      %dma_wait3A_76 = tpu.memref_slice %arg7[%dma_wait3A_75] : memref<10240xf32, #tpu.memory_space<vmem_shared>> -> memref<10240xf32, #tpu.memory_space<vmem_shared>>
      tpu.wait_indirect_dma semaphore(%arg8 : memref<!tpu.dma_semaphore, #tpu.memory_space<semaphore_mem>>) src(%arg5 : memref<128xf32, #tpu.memory_space<vmem>>) dst(%dma_wait3A_76 : memref<10240xf32, #tpu.memory_space<vmem_shared>>)
      %add3A_77 = arith.constant 4 : i32
      %add3A_78 = arith.addi %add3A_70, %add3A_77 : i32
      %add3A_79 = arith.constant 0 : i32
      %add3A_80 = arith.addi %add3A_78, %add3A_79 : i32
      %dma_start3A_81 = arith.constant 0 : i32
      %dma_start3A_82 = tpu.memref_slice %arg4[%add3A_80, %dma_start3A_81] : memref<80x128xi32, #tpu.memory_space<vmem>> -> memref<1x128xi32, #tpu.memory_space<vmem>>
      %dma_start3A_83 = tpu.memref_squeeze %dma_start3A_82 : memref<1x128xi32, #tpu.memory_space<vmem>> -> memref<128xi32, #tpu.memory_space<vmem>>
      %dma_start3A_84 = arith.constant 0 : i32
      %dma_start3A_85 = tpu.memref_slice %arg7[%dma_start3A_84] : memref<10240xf32, #tpu.memory_space<vmem_shared>> -> memref<10240xf32, #tpu.memory_space<vmem_shared>>
      tpu.enqueue_indirect_dma source(%arg5 : memref<128xf32, #tpu.memory_space<vmem>>) target(%dma_start3A_85 : memref<10240xf32, #tpu.memory_space<vmem_shared>>) offsets(%dma_start3A_83 : memref<128xi32, #tpu.memory_space<vmem>>) semaphore(%arg8 : memref<!tpu.dma_semaphore, #tpu.memory_space<semaphore_mem>>) {add = true}
      %dma_wait3A_86 = arith.constant 0 : i32
      %dma_wait3A_87 = arith.constant 0 : i32
      %dma_wait3A_88 = tpu.memref_slice %arg4[%dma_wait3A_86, %dma_wait3A_87] : memref<80x128xi32, #tpu.memory_space<vmem>> -> memref<1x128xi32, #tpu.memory_space<vmem>>
      %dma_wait3A_89 = tpu.memref_squeeze %dma_wait3A_88 : memref<1x128xi32, #tpu.memory_space<vmem>> -> memref<128xi32, #tpu.memory_space<vmem>>
      %dma_wait3A_90 = arith.constant 0 : i32
      %dma_wait3A_91 = tpu.memref_slice %arg7[%dma_wait3A_90] : memref<10240xf32, #tpu.memory_space<vmem_shared>> -> memref<10240xf32, #tpu.memory_space<vmem_shared>>
      tpu.wait_indirect_dma semaphore(%arg9 : memref<!tpu.dma_semaphore, #tpu.memory_space<semaphore_mem>>) src(%arg5 : memref<128xf32, #tpu.memory_space<vmem>>) dst(%dma_wait3A_91 : memref<10240xf32, #tpu.memory_space<vmem_shared>>)
      %add3A_92 = arith.constant 4 : i32
      %add3A_93 = arith.addi %add3A_70, %add3A_92 : i32
      %add3A_94 = arith.constant 1 : i32
      %add3A_95 = arith.addi %add3A_93, %add3A_94 : i32
      %dma_start3A_96 = arith.constant 0 : i32
      %dma_start3A_97 = tpu.memref_slice %arg4[%add3A_95, %dma_start3A_96] : memref<80x128xi32, #tpu.memory_space<vmem>> -> memref<1x128xi32, #tpu.memory_space<vmem>>
      %dma_start3A_98 = tpu.memref_squeeze %dma_start3A_97 : memref<1x128xi32, #tpu.memory_space<vmem>> -> memref<128xi32, #tpu.memory_space<vmem>>
      %dma_start3A_99 = arith.constant 0 : i32
      %dma_start3A_100 = tpu.memref_slice %arg7[%dma_start3A_99] : memref<10240xf32, #tpu.memory_space<vmem_shared>> -> memref<10240xf32, #tpu.memory_space<vmem_shared>>
      tpu.enqueue_indirect_dma source(%arg5 : memref<128xf32, #tpu.memory_space<vmem>>) target(%dma_start3A_100 : memref<10240xf32, #tpu.memory_space<vmem_shared>>) offsets(%dma_start3A_98 : memref<128xi32, #tpu.memory_space<vmem>>) semaphore(%arg9 : memref<!tpu.dma_semaphore, #tpu.memory_space<semaphore_mem>>) {add = true}
      %dma_wait3A_101 = arith.constant 0 : i32
      %dma_wait3A_102 = arith.constant 0 : i32
      %dma_wait3A_103 = tpu.memref_slice %arg4[%dma_wait3A_101, %dma_wait3A_102] : memref<80x128xi32, #tpu.memory_space<vmem>> -> memref<1x128xi32, #tpu.memory_space<vmem>>
      %dma_wait3A_104 = tpu.memref_squeeze %dma_wait3A_103 : memref<1x128xi32, #tpu.memory_space<vmem>> -> memref<128xi32, #tpu.memory_space<vmem>>
      %dma_wait3A_105 = arith.constant 0 : i32
      %dma_wait3A_106 = tpu.memref_slice %arg7[%dma_wait3A_105] : memref<10240xf32, #tpu.memory_space<vmem_shared>> -> memref<10240xf32, #tpu.memory_space<vmem_shared>>
      tpu.wait_indirect_dma semaphore(%arg10 : memref<!tpu.dma_semaphore, #tpu.memory_space<semaphore_mem>>) src(%arg5 : memref<128xf32, #tpu.memory_space<vmem>>) dst(%dma_wait3A_106 : memref<10240xf32, #tpu.memory_space<vmem_shared>>)
      %add3A_107 = arith.constant 4 : i32
      %add3A_108 = arith.addi %add3A_70, %add3A_107 : i32
      %add3A_109 = arith.constant 2 : i32
      %add3A_110 = arith.addi %add3A_108, %add3A_109 : i32
      %dma_start3A_111 = arith.constant 0 : i32
      %dma_start3A_112 = tpu.memref_slice %arg4[%add3A_110, %dma_start3A_111] : memref<80x128xi32, #tpu.memory_space<vmem>> -> memref<1x128xi32, #tpu.memory_space<vmem>>
      %dma_start3A_113 = tpu.memref_squeeze %dma_start3A_112 : memref<1x128xi32, #tpu.memory_space<vmem>> -> memref<128xi32, #tpu.memory_space<vmem>>
      %dma_start3A_114 = arith.constant 0 : i32
      %dma_start3A_115 = tpu.memref_slice %arg7[%dma_start3A_114] : memref<10240xf32, #tpu.memory_space<vmem_shared>> -> memref<10240xf32, #tpu.memory_space<vmem_shared>>
      tpu.enqueue_indirect_dma source(%arg5 : memref<128xf32, #tpu.memory_space<vmem>>) target(%dma_start3A_115 : memref<10240xf32, #tpu.memory_space<vmem_shared>>) offsets(%dma_start3A_113 : memref<128xi32, #tpu.memory_space<vmem>>) semaphore(%arg10 : memref<!tpu.dma_semaphore, #tpu.memory_space<semaphore_mem>>) {add = true}
      %dma_wait3A_116 = arith.constant 0 : i32
      %dma_wait3A_117 = arith.constant 0 : i32
      %dma_wait3A_118 = tpu.memref_slice %arg4[%dma_wait3A_116, %dma_wait3A_117] : memref<80x128xi32, #tpu.memory_space<vmem>> -> memref<1x128xi32, #tpu.memory_space<vmem>>
      %dma_wait3A_119 = tpu.memref_squeeze %dma_wait3A_118 : memref<1x128xi32, #tpu.memory_space<vmem>> -> memref<128xi32, #tpu.memory_space<vmem>>
      %dma_wait3A_120 = arith.constant 0 : i32
      %dma_wait3A_121 = tpu.memref_slice %arg7[%dma_wait3A_120] : memref<10240xf32, #tpu.memory_space<vmem_shared>> -> memref<10240xf32, #tpu.memory_space<vmem_shared>>
      tpu.wait_indirect_dma semaphore(%arg11 : memref<!tpu.dma_semaphore, #tpu.memory_space<semaphore_mem>>) src(%arg5 : memref<128xf32, #tpu.memory_space<vmem>>) dst(%dma_wait3A_121 : memref<10240xf32, #tpu.memory_space<vmem_shared>>)
      %add3A_122 = arith.constant 4 : i32
      %add3A_123 = arith.addi %add3A_70, %add3A_122 : i32
      %add3A_124 = arith.constant 3 : i32
      %add3A_125 = arith.addi %add3A_123, %add3A_124 : i32
      %dma_start3A_126 = arith.constant 0 : i32
      %dma_start3A_127 = tpu.memref_slice %arg4[%add3A_125, %dma_start3A_126] : memref<80x128xi32, #tpu.memory_space<vmem>> -> memref<1x128xi32, #tpu.memory_space<vmem>>
      %dma_start3A_128 = tpu.memref_squeeze %dma_start3A_127 : memref<1x128xi32, #tpu.memory_space<vmem>> -> memref<128xi32, #tpu.memory_space<vmem>>
      %dma_start3A_129 = arith.constant 0 : i32
      %dma_start3A_130 = tpu.memref_slice %arg7[%dma_start3A_129] : memref<10240xf32, #tpu.memory_space<vmem_shared>> -> memref<10240xf32, #tpu.memory_space<vmem_shared>>
      tpu.enqueue_indirect_dma source(%arg5 : memref<128xf32, #tpu.memory_space<vmem>>) target(%dma_start3A_130 : memref<10240xf32, #tpu.memory_space<vmem_shared>>) offsets(%dma_start3A_128 : memref<128xi32, #tpu.memory_space<vmem>>) semaphore(%arg11 : memref<!tpu.dma_semaphore, #tpu.memory_space<semaphore_mem>>) {add = true}
    }
    %scan3A_39 = arith.constant 19 : i32
    %dma_wait3A = arith.constant 0 : i32
    %dma_wait3A_40 = arith.constant 0 : i32
    %dma_wait3A_41 = tpu.memref_slice %arg4[%dma_wait3A, %dma_wait3A_40] : memref<80x128xi32, #tpu.memory_space<vmem>> -> memref<1x128xi32, #tpu.memory_space<vmem>>
    %dma_wait3A_42 = tpu.memref_squeeze %dma_wait3A_41 : memref<1x128xi32, #tpu.memory_space<vmem>> -> memref<128xi32, #tpu.memory_space<vmem>>
    %dma_wait3A_43 = arith.constant 0 : i32
    %dma_wait3A_44 = tpu.memref_slice %arg7[%dma_wait3A_43] : memref<10240xf32, #tpu.memory_space<vmem_shared>> -> memref<10240xf32, #tpu.memory_space<vmem_shared>>
    tpu.wait_indirect_dma semaphore(%arg8 : memref<!tpu.dma_semaphore, #tpu.memory_space<semaphore_mem>>) src(%arg5 : memref<128xf32, #tpu.memory_space<vmem>>) dst(%dma_wait3A_44 : memref<10240xf32, #tpu.memory_space<vmem_shared>>)
    %dma_wait3A_45 = arith.constant 0 : i32
    %dma_wait3A_46 = arith.constant 0 : i32
    %dma_wait3A_47 = tpu.memref_slice %arg4[%dma_wait3A_45, %dma_wait3A_46] : memref<80x128xi32, #tpu.memory_space<vmem>> -> memref<1x128xi32, #tpu.memory_space<vmem>>
    %dma_wait3A_48 = tpu.memref_squeeze %dma_wait3A_47 : memref<1x128xi32, #tpu.memory_space<vmem>> -> memref<128xi32, #tpu.memory_space<vmem>>
    %dma_wait3A_49 = arith.constant 0 : i32
    %dma_wait3A_50 = tpu.memref_slice %arg7[%dma_wait3A_49] : memref<10240xf32, #tpu.memory_space<vmem_shared>> -> memref<10240xf32, #tpu.memory_space<vmem_shared>>
    tpu.wait_indirect_dma semaphore(%arg9 : memref<!tpu.dma_semaphore, #tpu.memory_space<semaphore_mem>>) src(%arg5 : memref<128xf32, #tpu.memory_space<vmem>>) dst(%dma_wait3A_50 : memref<10240xf32, #tpu.memory_space<vmem_shared>>)
    %dma_wait3A_51 = arith.constant 0 : i32
    %dma_wait3A_52 = arith.constant 0 : i32
    %dma_wait3A_53 = tpu.memref_slice %arg4[%dma_wait3A_51, %dma_wait3A_52] : memref<80x128xi32, #tpu.memory_space<vmem>> -> memref<1x128xi32, #tpu.memory_space<vmem>>
    %dma_wait3A_54 = tpu.memref_squeeze %dma_wait3A_53 : memref<1x128xi32, #tpu.memory_space<vmem>> -> memref<128xi32, #tpu.memory_space<vmem>>
    %dma_wait3A_55 = arith.constant 0 : i32
    %dma_wait3A_56 = tpu.memref_slice %arg7[%dma_wait3A_55] : memref<10240xf32, #tpu.memory_space<vmem_shared>> -> memref<10240xf32, #tpu.memory_space<vmem_shared>>
    tpu.wait_indirect_dma semaphore(%arg10 : memref<!tpu.dma_semaphore, #tpu.memory_space<semaphore_mem>>) src(%arg5 : memref<128xf32, #tpu.memory_space<vmem>>) dst(%dma_wait3A_56 : memref<10240xf32, #tpu.memory_space<vmem_shared>>)
    %dma_wait3A_57 = arith.constant 0 : i32
    %dma_wait3A_58 = arith.constant 0 : i32
    %dma_wait3A_59 = tpu.memref_slice %arg4[%dma_wait3A_57, %dma_wait3A_58] : memref<80x128xi32, #tpu.memory_space<vmem>> -> memref<1x128xi32, #tpu.memory_space<vmem>>
    %dma_wait3A_60 = tpu.memref_squeeze %dma_wait3A_59 : memref<1x128xi32, #tpu.memory_space<vmem>> -> memref<128xi32, #tpu.memory_space<vmem>>
    %dma_wait3A_61 = arith.constant 0 : i32
    %dma_wait3A_62 = tpu.memref_slice %arg7[%dma_wait3A_61] : memref<10240xf32, #tpu.memory_space<vmem_shared>> -> memref<10240xf32, #tpu.memory_space<vmem_shared>>
    tpu.wait_indirect_dma semaphore(%arg11 : memref<!tpu.dma_semaphore, #tpu.memory_space<semaphore_mem>>) src(%arg5 : memref<128xf32, #tpu.memory_space<vmem>>) dst(%dma_wait3A_62 : memref<10240xf32, #tpu.memory_space<vmem_shared>>)
    %barrier3A_63 = arith.constant 0 : index
    tpu.barrier barrier_id(%barrier3A_63)
    %mul3A_64 = arith.constant 640 : i32
    %mul3A_65 = arith.muli %arg1, %mul3A_64 : i32
    "tpu.region"() ({
      %run_scoped3A = tpu.sem_alloc : memref<!tpu.dma_semaphore, #tpu.memory_space<semaphore_mem>>
      %dma_start3A_66 = tpu.memref_slice %arg3[%arg0, %mul3A_65] : memref<2x10240xf32, #tpu.memory_space<hbm>> -> memref<1x640xf32, #tpu.memory_space<hbm>>
      %dma_start3A_67 = tpu.memref_squeeze %dma_start3A_66 : memref<1x640xf32, #tpu.memory_space<hbm>> -> memref<640xf32, #tpu.memory_space<hbm>>
      %dma_start3A_68 = tpu.memref_slice %arg7[%mul3A_65] : memref<10240xf32, #tpu.memory_space<vmem_shared>> -> memref<640xf32, #tpu.memory_space<vmem_shared>>
      tpu.enqueue_dma source(%dma_start3A_68 : memref<640xf32, #tpu.memory_space<vmem_shared>>) target(%dma_start3A_67 : memref<640xf32, #tpu.memory_space<hbm>>) target_semaphore(%run_scoped3A : memref<!tpu.dma_semaphore, #tpu.memory_space<semaphore_mem>>)
      %dma_wait3A_69 = tpu.memref_slice %arg3[%arg0, %mul3A_65] : memref<2x10240xf32, #tpu.memory_space<hbm>> -> memref<1x640xf32, #tpu.memory_space<hbm>>
      %dma_wait3A_70 = tpu.memref_squeeze %dma_wait3A_69 : memref<1x640xf32, #tpu.memory_space<hbm>> -> memref<640xf32, #tpu.memory_space<hbm>>
      %dma_wait3A_71 = tpu.memref_slice %arg7[%mul3A_65] : memref<10240xf32, #tpu.memory_space<vmem_shared>> -> memref<640xf32, #tpu.memory_space<vmem_shared>>
      tpu.wait_dma2 semaphore(%run_scoped3A : memref<!tpu.dma_semaphore, #tpu.memory_space<semaphore_mem>>) src(%dma_wait3A_71 : memref<640xf32, #tpu.memory_space<vmem_shared>>) dst(%dma_wait3A_70 : memref<640xf32, #tpu.memory_space<hbm>>)
      tpu.yield
    }) : () -> ()
    return
  }
}

</mosaic_0001>

<sc_bundles>
// kernel: _sc_deg.3.cloned.1.call-start
scs
__scs_entry_jumppad:
0x0: {  	(pc) =	sbr.rel $0x88, $3  }
0x1: {  	(tag) =	ssettag $0x0;
	lr =	simm.s32 $0x1  }
0x2: {  	[smem:$0x3FA0] =	sst lr;
	_ =	strace $0xD0000000  }
0x3: {  	_ = 	snop  }
0x4: {  	_ = 	snop  }
0x5: {  	_ = 	snop  }
0x6: {  	_ = 	snop  }
0x7: {  	_ = 	snop  }
__scs_overlays_trampoline_lowered:
0x8: {  	[smem:$0x3FAF] =	sst s0  }
0x9: {  	[smem:$0x3FB0] =	sst s1  }
0xa: {  	[smem:$0x3FB1] =	sst s2  }
0xb: {  	[smem:$0x3FB2] =	sst s3  }
0xc: {  	[smem:$0x3FB3] =	sst s4  }
0xd: {  	[smem:$0x3FB4] =	sst s5  }
0xe: {  	[smem:$0x3FB5] =	sst s6  }
0xf: {  	[smem:$0x3FB6] =	sst s7  }
0x10: {  	[smem:$0x3FB7] =	sst s8  }
0x11: {  	[smem:$0x3FB8] =	sst s9;
	s0 =	simm.s32 @!p0 $0x0  }
0x12: {  	s1 =	sld [smem:$0x3F9E];
	s0 =	simm.s32 @p0 $0x1  }
0x13: {  	[smem:$0x3FB9] =	sst s0;
	s0 =	simm.s32 @!p1 $0x0  }
0x14: {  	s2 =	sld [smem:$0x3F9D];
	s0 =	simm.s32 @p1 $0x1  }
0x15: {  	[smem:$0x3FBA] =	sst s0;
	s0 =	simm.s32 @!p2 $0x0  }
0x16: {  	s3 =	sld [smem:$0x3FDB];
	s0 =	simm.s32 @p2 $0x1  }
0x17: {  	s4 =	simm.s32 $0x1BF5;
	[smem:$0x3FBC] =	sst s0  }
0x18: {  	s0 =	sld [smem:$0x3F9F];
	_ =	swait.ge [sflag:s4], $0x0  }
0x19: {  	s7 =	sld [smem:$0x3FA0]  }
0x1a: {  	s8 =	sadd.s32 $0xFFFFE003, lr  }
0x1b: {  	s9 =	sadd.s32 $0xFFFFFEF7, lr;
	s5 =	simm.s32 $0xFFFFFFFF;
	p2 =	slt.u32 s8, $0xFFFFF086  }
0x1c: {  	p1 =	slt.u32 s9, $0xF7A;
	s5 =	simm.s32 @!p2 $0x0  }
0x1d: {  	s5 =	simm.s32 @p1 $0x1;
	p0 =	seq.s32 s7, s2  }
0x1e: {  	s7 =	smul.u32 @!p0 $0xF7A, s2;
	p2 =	seq.s32 @!p0 s5, $0x0  }
0x1f: {  	s9 =	smul.u32 $0xF7A, s1;
	s8 =	simm.s32 @!p0 $0x1BF5;
	p2 =	por !p2, p0  }
0x20: {  	[sflag:s8] =	ssyncset.s32 @!p0 $0xFFFFF086;
	s6 =	sadd.s32 @!p0 s3, s7;
	s7 =	simm.s32 @!p0 $0x108  }
0x21: {  	s3 =	sadd.s32 s3, s9;
	s6 =	sadd.s32 @!p0 $0x88, s6;
	s7 =	simm.s32 @p2 $0x1082  }
0x22: {  	[simem:s7], [sflag:s8] =	dma.local @!p0 [hbm:s6], $0xF7A  }
0x23: {  	s9 =	sor.u32 $0xD0000000, s2;
	s6 =	simm.s32 $0x108;
	_ =	swait.ge @!p0 [sflag:s8], $0x0  }
0x24: {  	s3 =	sadd.s32 $0x88, s3;
	s6 =	simm.s32 @!p1 $0x1082;
	[sflag:s4] =	ssyncset.s32 $0xFFFFF086  }
0x25: {  	[simem:s6], [sflag:s4] =	dma.local [hbm:s3], $0xF7A  }
0x26: {  	[smem:$0x3FA0] =	sst s1;
	(tag) =	ssettag s2;
	_ =	strace s9  }
0x27: {  	s1 =	sld [smem:$0x3FB0]  }
0x28: {  	s2 =	sld [smem:$0x3FB1]  }
0x29: {  	s4 =	sld [smem:$0x3FB3]  }
0x2a: {  	p0 =	seq.s32 s5, $0x0;
	s5 =	sld [smem:$0x3FB4]  }
0x2b: {  	s6 =	sld [smem:$0x3FB5]  }
0x2c: {  	s7 =	sld [smem:$0x3FB6]  }
0x2d: {  	s3 =	simm.s32 $0x108;
	s8 =	sld [smem:$0x3FB7]  }
0x2e: {  	s3 =	simm.s32 @!p0 $0x1082;
	s9 =	sld [smem:$0x3FB8]  }
0x2f: {  	lr =	sadd.s32 s0, s3;
	s0 =	sld [smem:$0x3FAF]  }
0x30: {  	s3 =	sld [smem:$0x3FB2]  }
0x31: {  	[smem:$0x3FBB] =	sst s10  }
0x32: {  	s10 =	sld [smem:$0x3FB9];
	_ =	sdelay $0x3  }
0x33: {  	p0 =	seq.s32 s10, $0x1;
	s10 =	sld [smem:$0x3FBB];
	_ =	sdelay $0x3  }
0x34: {  	[smem:$0x3FBB] =	sst s10  }
0x35: {  	s10 =	sld [smem:$0x3FBA];
	_ =	sdelay $0x3  }
0x36: {  	p1 =	seq.s32 s10, $0x1;
	s10 =	sld [smem:$0x3FBB];
	_ =	sdelay $0x3  }
0x37: {  	[smem:$0x3FBB] =	sst s10  }
0x38: {  	s10 =	sld [smem:$0x3FBC]  }
0x39: {  	_ = 	snop;
	(pc) =	sbr.ind lr, $3  }
0x3a: {  	_ = 	snop  }
0x3b: {  	_ = 	snop  }
0x3c: {  	p2 =	seq.s32 s10, $0x1;
	s10 =	sld [smem:$0x3FBB]  }
0x3d: {  	_ =	shalt  }
0x3e: {  	_ =	shalt  }
0x3f: {  	_ =	shalt  }
0x40: {  	_ =	shalt  }
0x41: {  	_ =	shalt  }
0x42: {  	_ =	shalt  }
0x43: {  	_ =	shalt  }
0x44: {  	_ =	shalt  }
0x45: {  	_ =	shalt  }
0x46: {  	_ =	shalt  }
0x47: {  	_ =	shalt  }
0x48: {  	_ =	shalt  }
0x49: {  	_ =	shalt  }
0x4a: {  	_ =	shalt  }
0x4b: {  	_ =	shalt  }
0x4c: {  	_ =	shalt  }
0x4d: {  	_ =	shalt  }
0x4e: {  	_ =	shalt  }
0x4f: {  	_ =	shalt  }
0x50: {  	_ =	shalt  }
0x51: {  	_ =	shalt  }
0x52: {  	_ =	shalt  }
0x53: {  	_ =	shalt  }
0x54: {  	_ =	shalt  }
0x55: {  	_ =	shalt  }
0x56: {  	_ =	shalt  }
0x57: {  	_ =	shalt  }
0x58: {  	_ =	shalt  }
0x59: {  	_ =	shalt  }
0x5a: {  	_ =	shalt  }
0x5b: {  	_ =	shalt  }
0x5c: {  	_ =	shalt  }
0x5d: {  	_ =	shalt  }
0x5e: {  	_ =	shalt  }
0x5f: {  	_ =	shalt  }
0x60: {  	_ =	shalt  }
0x61: {  	_ =	shalt  }
0x62: {  	_ =	shalt  }
0x63: {  	_ =	shalt  }
0x64: {  	_ =	shalt  }
0x65: {  	_ =	shalt  }
0x66: {  	_ =	shalt  }
0x67: {  	_ =	shalt  }
0x68: {  	_ =	shalt  }
0x69: {  	_ =	shalt  }
0x6a: {  	_ =	shalt  }
0x6b: {  	_ =	shalt  }
0x6c: {  	_ =	shalt  }
0x6d: {  	_ =	shalt  }
0x6e: {  	_ =	shalt  }
0x6f: {  	_ =	shalt  }
0x70: {  	_ =	shalt  }
0x71: {  	_ =	shalt  }
0x72: {  	_ =	shalt  }
0x73: {  	_ =	shalt  }
0x74: {  	_ =	shalt  }
0x75: {  	_ =	shalt  }
0x76: {  	_ =	shalt  }
0x77: {  	_ =	shalt  }
0x78: {  	_ =	shalt  }
0x79: {  	_ =	shalt  }
0x7a: {  	_ =	shalt  }
0x7b: {  	_ =	shalt  }
0x7c: {  	_ =	shalt  }
0x7d: {  	_ =	shalt  }
0x7e: {  	_ =	shalt  }
0x7f: {  	_ =	shalt  }
0x80: {  	_ =	shalt  }
0x81: {  	_ =	shalt  }
0x82: {  	_ =	shalt  }
0x83: {  	_ =	shalt  }
0x84: {  	_ =	shalt  }
0x85: {  	_ =	shalt  }
0x86: {  	_ =	shalt  }
0x87: {  	_ =	shalt  }
.Lfunc_end0:
.L_simem_size_0:
called_computation_lowered:
.L_overlay_start_0:
0x88: {  	s2 =	sld [smem:$0x3FD9]  }
0x89: {  	s3 =	sld [smem:$0x3FFE];
	_ =	sdelay $0x1  }
0x8a: {  	s1 =	srdreg.scid  }
0x8b: {  	s0 =	sand.u32 $0x1, s1  }
0x8c: {  	s18 =	sshll.u32 s0, $0xA;
	s2 =	sadd.s32 s3, s2  }
0x8d: {  	s2 =	sadd.s32 s2, s18  }
0x8e: {  	[smem:$0x3FC7] =	sst s2  }
0x8f: {  	_ = 	snop  }
0x90: {  	s2 =	sld [smem:$0x3FC9]  }
0x91: {  	s19 =	sld [smem:$0x3FD0];
	(tm) =	ssettm $0x1  }
0x92: {  	s4 =	sld [smem:$0x3FFB];
	_ =	sdelay $0x3  }
0x93: {  	_ =	strace s4  }
0x94: {  	s4 =	sld [smem:$0x3FFC];
	_ =	sdelay $0x3  }
0x95: {  	_ =	strace s4  }
0x96: {  	s4 =	sld [smem:$0x3FFD];
	_ =	sdelay $0x3  }
0x97: {  	_ =	strace s4  }
0x98: {  	_ =	strace $0x8FFFFFFF  }
0x99: {  	s20 =	sld [smem:$0x3FDB];
	_ =	sdelay $0x1  }
0x9a: {  	s5 =	simm.s32 $_scs_section_size  }
0x9b: {  	s6 =	simm.s32 $_size__tile_overlayer_lowered;
	s7 =	simm.s32 $_tile_overlayer_lowered  }
0x9c: {  	s23 =	simm.s32 $0x1BFF;
	s22 =	sshll.u32 s7, $0x1;
	s4 =	sadd.s32 s5, s20  }
0x9d: {  	s8 =	simm.s32 $0x0;
	s21 =	sshll.u32 s6, $0x1;
	s6 =	sadd.s32 s22, s4  }
0x9e: {  	[timem:s8], [sflag:s23] =	dma.local [hbm:s6], s21  }
0x9f: {  	_ =	swait.ge [sflag:s23], s21  }
0xa0: {  	s5 =	ssub.s32 $0x0, s21;
	[sflag:s23] =	ssyncset.done $0x0  }
0xa1: {  	[sflag:s23] =	ssyncadd.s32 s5;
	_ =	sdelay $0x1  }
0xa2: {  	s24 =	simm.s32 $0x1B8B  }
0xa3: {  	_ =	swait.ge [sflag:s24], $0x1  }
0xa4: {  	[sflag:s24] =	ssyncset.done $0x0  }
0xa5: {  	s25 =	simm.s32 $0x1B8E;
	[sflag:s24] =	ssyncadd.s32 $0xFFFFFFFF  }
0xa6: {  	s26 =	simm.s32 $execute0_lowered;
	[smem:$0x3FD2] =	sst s25  }
0xa7: {  	s5 =	sshll.u32 s26, $0x1;
	_ =	strace $0x80000046;
	[dreg:$0x1] =	wrdreg $0xFFFFFFFF  }
0xa8: {  	s28 =	simm.s32 $_size_execute0_lowered;
	s4 =	sadd.s32 s4, s5;
	[dreg:$0x0] =	wrdreg $0x0  }
0xa9: {  	s5 =	sshll.u32 s28, $0x1;
	[dreg:$0x2] =	wrdreg s4  }
0xaa: {  	[dreg:$0x3] =	wrdreg s5  }
0xab: {  	[dreg:$0x4] =	wrdreg $0xC0  }
0xac: {  	_ =	task [dreg:s8], $0x5FFFF  }
0xad: {  	[dreg:$0x1] =	wrdreg $0xFFFFFFFF  }
0xae: {  	[dreg:$0x0] =	wrdreg $0x60  }
0xaf: {  	[dreg:$0x2] =	wrdreg s2  }
0xb0: {  	[dreg:$0x3] =	wrdreg s19  }
0xb1: {  	[dreg:$0x4] =	wrdreg $0x2B000  }
0xb2: {  	[dreg:$0x5] =	wrdreg $0x9  }
0xb3: {  	_ =	task.clear_ibuf [dreg:s8], $0x6FFFF;
	_ =	strace $0x90000046  }
0xb4: {  	s29 =	simm.s32 $0x9;
	_ =	strace $0x80000048  }
0xb5: {  	_ =	swait.ge [sflag:s29], $0x1  }
0xb6: {  	[sflag:s29] =	ssyncadd.s32 $0xFFFFFFFF  }
0xb7: {  	_ =	strace $0x90000048  }
0xb8: {  	_ =	sfence  }
0xb9: {  	s30 =	sld [smem:$0x0];
	_ =	sdelay $0x2  }
0xba: {  	s31 =	sshll.u32 s1, $0xD;
	s1 =	sshrl.u32 s1, $0x2  }
0xbb: {  	s3 =	sand.u32 $0x4000, s31;
	s1 =	sadd.s32 s1, s30  }
0xbc: {  	s0 =	sor.u32 s3, s0;
	s1 =	sshll.u32 s1, $0x11  }
0xbd: {  	s0 =	sor.u32 s1, s0  }
0xbe: {  	s0 =	sadd.s32 $0x8F2B, s0  }
0xbf: {  	[sflag:s0] =	ssyncadd.remote.s32 $0x1  }
0xc0: {  	_ =	sfence.sel $0xFFFF  }
0xc1: {  	[dreg:$0x0] =	wrdreg $0xFFFFFFFF;
	(pc) =	sbr.abs _section_cstart, $3  }
0xc2: {  	[dreg:$0x1] =	wrdreg $0xFFFFFFFF  }
0xc3: {  	_ =	task.clear_ibuf [dreg:s8], $0x2FFFF;
	_ =	strace $0x9FFFFFFF  }
0xc4: {  	(tm) =	ssettm $0x7FFFFFFF  }
0xc5: {  	_ =	shalt  }
tec
execute0_lowered:
.L_overlay_start_1:
0x0: {  	(tag) =	ssettag $0x1  }
0x1: {  	s5 =	rddreg [dreg:$0x0]  }
0x2: {  	s6 =	rddreg [dreg:$0x1]  }
0x3: {  	s1 =	rddreg [dreg:$0x2]  }
0x4: {  	s0 =	rddreg [dreg:$0x3];
	s3 =	simm.s32 $0x0;
	s4 =	srdreg.scid  }
0x5: {  	s2 =	stileid.u32;
	s12 =	simm.s32 $0x100;
	s13 =	simm.s32 $0x180  }
0x6: {  	s14 =	simm.s32 $0x1;
	s15 =	simm.s32 $0x2;
	s16 =	simm.s32 $0x3  }
0x7: {  	s17 =	simm.s32 $0x4;
	s20 =	simm.s32 $0x20;
	s21 =	simm.s32 $0x10  }
0x8: {  	s22 =	simm.s32 $0x0;
	[smem:$0x7FF] =	sst s3;
	s8 =	smul.u32 $0xA00, s2  }
0x9: {  	s4 =	sand.u32 $0x1, s4;
	s10 =	smul.u32 $0x500, s2;
	s18 =	sshll.u32 s2, $0x6  }
0xa: {  	_ =	strace $0x80000047;
	s7 =	sshll.u32 s4, $0x4;
	s9 =	ssub.s32 $0x2, s4  }
0xb: {  	s4 =	sshll.u32 s4, $0x7;
	s18 =	sor.u32 $0x1C05, s18;
	s7 =	sor.u32 s2, s7  }
0xc: {  	s11 =	sshrl.u32 s9, $0x1;
	s8 =	sshrl.u32 s8, $0x2;
	s10 =	sor.u32 s4, s10  }
0xd: {  	s7 =	smul.u32 $0x500, s7;
	s9 =	ssub.s32 s9, s11;
	s4 =	sadd.s32 s8, s1  }
0xe: {  	s31 =	sshrl.u32 s10, $0x3;
	s8 =	simm.s32 $0x2880;
	s10 =	simm.s32 $0x80  }
0xf: {  	s11 =	simm.s32 $0x2800;
	s6 =	sadd.s32 s6, s31;
	s19 =	sshrl.u32 s4, $0x3  }
0x10: {  	v0 =	vimm.f32 $1.000000000e+00;
	v1 =	vimm.f32 $0.0e+00;
	s5 =	sadd.s32 s5, s7;
	s7 =	smax.u32 s9, $0x1;
	s9 =	simm.s32 $0x5  }
.LBB2_1:
0x11: {  	[tilespmem:$0x2800] =	vst v0  }
0x12: {  	[tilespmem:$0x2810] =	vst v0  }
0x13: {  	[tilespmem:$0x2820] =	vst v0  }
0x14: {  	[tilespmem:$0x2830] =	vst v0  }
0x15: {  	[tilespmem:$0x2840] =	vst v0  }
0x16: {  	[tilespmem:$0x2850] =	vst v0  }
0x17: {  	[tilespmem:$0x2860] =	vst v0  }
0x18: {  	[tilespmem:$0x2870] =	vst v0  }
0x19: {  	[tilespmem:$0x2880] =	vst v1  }
0x1a: {  	[tilespmem:$0x2890] =	vst v1  }
0x1b: {  	[tilespmem:$0x28A0] =	vst v1  }
0x1c: {  	[tilespmem:$0x28B0] =	vst v1  }
0x1d: {  	[tilespmem:$0x28C0] =	vst v1  }
0x1e: {  	[tilespmem:$0x28D0] =	vst v1  }
0x1f: {  	[tilespmem:$0x28E0] =	vst v1  }
0x20: {  	[tilespmem:$0x28F0] =	vst v1  }
0x21: {  	[tilespmem:$0x2900] =	vst v1  }
0x22: {  	[tilespmem:$0x2910] =	vst v1  }
0x23: {  	[tilespmem:$0x2920] =	vst v1  }
0x24: {  	[tilespmem:$0x2930] =	vst v1  }
0x25: {  	[tilespmem:$0x2940] =	vst v1  }
0x26: {  	[tilespmem:$0x2950] =	vst v1  }
0x27: {  	[tilespmem:$0x2960] =	vst v1  }
0x28: {  	[tilespmem:$0x2970] =	vst v1  }
0x29: {  	[tilespmem:$0x2980] =	vst v1  }
0x2a: {  	[tilespmem:$0x2990] =	vst v1  }
0x2b: {  	[tilespmem:$0x29A0] =	vst v1  }
0x2c: {  	[tilespmem:$0x29B0] =	vst v1  }
0x2d: {  	[tilespmem:$0x29C0] =	vst v1  }
0x2e: {  	[tilespmem:$0x29D0] =	vst v1  }
0x2f: {  	[tilespmem:$0x29E0] =	vst v1  }
0x30: {  	[tilespmem:$0x29F0] =	vst v1  }
0x31: {  	[tilespmem:$0x2A00] =	vst v1  }
0x32: {  	[tilespmem:$0x2A10] =	vst v1  }
0x33: {  	[tilespmem:$0x2A20] =	vst v1  }
0x34: {  	[tilespmem:$0x2A30] =	vst v1  }
0x35: {  	[tilespmem:$0x2A40] =	vst v1  }
0x36: {  	[tilespmem:$0x2A50] =	vst v1  }
0x37: {  	[tilespmem:$0x2A60] =	vst v1  }
0x38: {  	[tilespmem:$0x2A70] =	vst v1  }
0x39: {  	[tilespmem:$0x2A80] =	vst v1  }
0x3a: {  	[tilespmem:$0x2A90] =	vst v1  }
0x3b: {  	[tilespmem:$0x2AA0] =	vst v1  }
0x3c: {  	[tilespmem:$0x2AB0] =	vst v1  }
0x3d: {  	[tilespmem:$0x2AC0] =	vst v1  }
0x3e: {  	[tilespmem:$0x2AD0] =	vst v1  }
0x3f: {  	[tilespmem:$0x2AE0] =	vst v1  }
0x40: {  	[tilespmem:$0x2AF0] =	vst v1  }
0x41: {  	[spmem:s4] =	stream.linear.scatter [tilespmem:s8], [sflag:$0x5], $0x280, $0x38;
	[tilespmem:$0x2D80] =	vst v63  }
0x42: {  	_ =	swait.ge [sflag:s9], $0x280  }
0x43: {  	[sflag:s9] =	ssyncset.done $0x0  }
0x44: {  	[sflag:s9] =	ssyncadd.s32 $0xFFFFFD80  }
0x45: {  	[tilespmem:s3], [sflag:$0x5] =	stream.linear.gather [hbm4b:s5+s3], $0x2800, $0x38;
	[tilespmem:$0x2D80] =	vst v63  }
0x46: {  	_ =	swait.ge [sflag:s9], $0x2800  }
0x47: {  	[sflag:s9] =	ssyncset.done $0x0  }
0x48: {  	[sflag:s9] =	ssyncadd.s32 $0xFFFFD800  }
0x49: {  	[bflag:$0x0] =	sbarrier.arrive $0xFFFF  }
0x4a: {  	[spmem:s1] =	stream.indirect.scatter.add.f32 [tilespmem:s11], [sflag:$0x1], $0x1, s3, s10, $0xb8;
	[tilespmem:$0x2D80] =	vst v63  }
0x4b: {  	_ = 	snop  }
0x4c: {  	[spmem:s1] =	stream.indirect.scatter.add.f32 [tilespmem:s11], [sflag:$0x2], $0x1, s10, s10, $0xb8;
	[tilespmem:$0x2D80] =	vst v63  }
0x4d: {  	_ = 	snop  }
0x4e: {  	[spmem:s1] =	stream.indirect.scatter.add.f32 [tilespmem:s11], [sflag:$0x3], $0x1, s12, s10, $0xb8;
	[tilespmem:$0x2D80] =	vst v63  }
0x4f: {  	_ = 	snop  }
0x50: {  	[spmem:s1] =	stream.indirect.scatter.add.f32 [tilespmem:s11], [sflag:$0x4], $0x1, s13, s10, $0xb8;
	[tilespmem:$0x2D80] =	vst v63  }
0x51: {  	_ =	swait.ge [sflag:s14], $0x80  }
0x52: {  	[sflag:s14] =	ssyncset.done $0x0  }
0x53: {  	s23 =	simm.s32 $0x200;
	[sflag:s14] =	ssyncadd.s32 $0xFFFFFF80  }
0x54: {  	[spmem:s1] =	stream.indirect.scatter.add.f32 [tilespmem:s11], [sflag:$0x1], $0x1, s23, s10, $0xb8;
	[tilespmem:$0x2D80] =	vst v63  }
0x55: {  	_ =	swait.ge [sflag:s15], $0x80  }
0x56: {  	[sflag:s15] =	ssyncset.done $0x0  }
0x57: {  	s30 =	simm.s32 $0x280;
	[sflag:s15] =	ssyncadd.s32 $0xFFFFFF80  }
0x58: {  	[spmem:s1] =	stream.indirect.scatter.add.f32 [tilespmem:s11], [sflag:$0x2], $0x1, s30, s10, $0xb8;
	[tilespmem:$0x2D80] =	vst v63  }
0x59: {  	_ =	swait.ge [sflag:s16], $0x80  }
0x5a: {  	[sflag:s16] =	ssyncset.done $0x0  }
0x5b: {  	s31 =	simm.s32 $0x300;
	[sflag:s16] =	ssyncadd.s32 $0xFFFFFF80  }
0x5c: {  	[spmem:s1] =	stream.indirect.scatter.add.f32 [tilespmem:s11], [sflag:$0x3], $0x1, s31, s10, $0xb8;
	[tilespmem:$0x2D80] =	vst v63  }
0x5d: {  	_ =	swait.ge [sflag:s17], $0x80  }
0x5e: {  	[sflag:s17] =	ssyncset.done $0x0  }
0x5f: {  	s24 =	simm.s32 $0x380;
	s23 =	simm.s32 $0xFFFF7000;
	[sflag:s17] =	ssyncadd.s32 $0xFFFFFF80  }
.LBB2_2:
0x60: {  	[spmem:s1] =	stream.indirect.scatter.add.f32 [tilespmem:s11], [sflag:$0x4], $0x1, s24, s10, $0xb8;
	[tilespmem:$0x2D80] =	vst v63  }
0x61: {  	s24 =	smov.u32 s23  }
0x62: {  	p0 =	sne.s32 s23, $0xFFFFF800;
	s23 =	sadd.s32 $0x800, s23;
	_ =	swait.ge [sflag:s14], $0x80  }
0x63: {  	s24 =	sshra.s32 s24, $0x2;
	[sflag:s14] =	ssyncset.done $0x0  }
0x64: {  	s25 =	sadd.s32 $0x2800, s24;
	[sflag:s14] =	ssyncadd.s32 $0xFFFFFF80  }
0x65: {  	[spmem:s1] =	stream.indirect.scatter.add.f32 [tilespmem:s11], [sflag:$0x1], $0x1, s25, s10, $0xb8;
	[tilespmem:$0x2D80] =	vst v63  }
0x66: {  	_ =	swait.ge [sflag:s15], $0x80  }
0x67: {  	[sflag:s15] =	ssyncset.done $0x0  }
0x68: {  	s25 =	sadd.s32 $0x2880, s24;
	[sflag:s15] =	ssyncadd.s32 $0xFFFFFF80  }
0x69: {  	[spmem:s1] =	stream.indirect.scatter.add.f32 [tilespmem:s11], [sflag:$0x2], $0x1, s25, s10, $0xb8;
	[tilespmem:$0x2D80] =	vst v63  }
0x6a: {  	_ =	swait.ge [sflag:s16], $0x80  }
0x6b: {  	[sflag:s16] =	ssyncset.done $0x0  }
.Ltmp0:
0x6c: {  	s25 =	sadd.s32 $0x2900, s24;
	[sflag:s16] =	ssyncadd.s32 $0xFFFFFF80;
	(pc) =	sbr.rel @p0 .LBB2_2-.Ltmp0, $4  }
0x6d: {  	[spmem:s1] =	stream.indirect.scatter.add.f32 [tilespmem:s11], [sflag:$0x3], $0x1, s25, s10, $0xb8;
	[tilespmem:$0x2D80] =	vst v63  }
0x6e: {  	_ =	swait.ge [sflag:s17], $0x80  }
0x6f: {  	[sflag:s17] =	ssyncset.done $0x0  }
0x70: {  	s24 =	sadd.s32 $0x2980, s24;
	[sflag:s17] =	ssyncadd.s32 $0xFFFFFF80  }
0x71: {  	[spmem:s1] =	stream.indirect.scatter.add.f32 [tilespmem:s11], [sflag:$0x4], $0x1, s24, s10, $0xb8;
	[tilespmem:$0x2D80] =	vst v63  }
0x72: {  	_ =	swait.ge [sflag:s14], $0x80  }
0x73: {  	[sflag:s14] =	ssyncset.done $0x0  }
0x74: {  	[sflag:s14] =	ssyncadd.s32 $0xFFFFFF80  }
0x75: {  	_ =	swait.ge [sflag:s15], $0x80  }
0x76: {  	[sflag:s15] =	ssyncset.done $0x0  }
0x77: {  	[sflag:s15] =	ssyncadd.s32 $0xFFFFFF80  }
0x78: {  	_ =	swait.ge [sflag:s16], $0x80  }
0x79: {  	[sflag:s16] =	ssyncset.done $0x0  }
0x7a: {  	[sflag:s16] =	ssyncadd.s32 $0xFFFFFF80  }
0x7b: {  	_ =	swait.ge [sflag:s17], $0x80  }
0x7c: {  	s22 =	sadd.s32 $0x1, s22;
	[sflag:s17] =	ssyncset.done $0x0  }
0x7d: {  	p0 =	sne.s32 s22, s7;
	[sflag:s17] =	ssyncadd.s32 $0xFFFFFF80  }
.Ltmp1:
0x7e: {  	[bflag:$0x0] =	sbarrier.arrive $0xFFFF;
	(pc) =	sbr.rel @p0 .LBB2_1-.Ltmp1, $4  }
0x7f: {  	[hbm:s6@s20], [sflag:s18] =	dma.strided [spmem:s19@s21], $0x50, s14, $0x10   }
0x80: {  	_ =	swait.ge [sflag:s9], $0x50  }
0x81: {  	[sflag:s9] =	ssyncset.done $0x0  }
0x82: {  	[sflag:s9] =	ssyncadd.s32 $0xFFFFFFB0  }
0x83: {  	_ =	sfence.sel $0x180000  }
0x84: {  	[bflag:$0x0] =	sbarrier.arrive $0xFFFF  }
0x85: {  	p0 =	sne.s32 s2, $0x0;
	_ =	strace $0x90000047  }
0x86: {  	s0 =	sadd.s32 @!p0 $0x100000, s0;
	[bflag:$0x2] =	sbarrier.arrive $0xFFFF  }
0x87: {  	[sflag:s0] =	ssyncadd.tile.s32 @!p0 $0x1;
	_ =	shalt  }
.Lfunc_end2:
_tile_overlayer_lowered:
.L_overlay_start_2:
0x88: {  	(tag) =	ssettag $0x2  }
0x89: {  	s0 =	rddreg [dreg:$0x0];
	s2 =	stileid.u32  }
0x8a: {  	s1 =	rddreg [dreg:$0x1];
	p0 =	sne.s32 s2, $0x0  }
0x8b: {  	s3 =	rddreg [dreg:$0x2];
	[bflag:$0x3] =	sbarrier.arrive $0xFFFF;
	s2 =	simm.s32 @!p0 $0x1C05  }
0x8c: {  	[timem:s3], [sflag:s2] =	dma.local @!p0 [hbm:s0], s1  }
0x8d: {  	s0 =	simm.s32 @!p0 $0x5  }
0x8e: {  	_ =	swait.ge @!p0 [sflag:s0], s1  }
0x8f: {  	s1 =	ssub.s32 @!p0 $0x0, s1;
	[sflag:s0] =	ssyncset.done @!p0 $0x0  }
0x90: {  	[sflag:s0] =	ssyncadd.s32 @!p0 s1  }
0x91: {  	[bflag:$0x3] =	sbarrier.arrive $0xFFFF  }
0x92: {  	_ =	shalt  }

</sc_bundles>
